<compile_context>
chip_gen: v7x
topology: tpu7x:2x2x1
jax: 0.10.2.dev20260603
libtpu: 0.0.44.dev20260713+nightly
codegen_flags: <defaults>
</compile_context>

<pallas_src>
import jax
import jax.numpy as jnp
from jax import lax
from jax.experimental import pallas as pl
from jax.experimental.pallas import tpu as pltpu
from jax.experimental.pallas import tpu_sc as plsc

VOCAB = 1000000
EMBED_DIM = 32
BATCH = 4096
HIST = 200

NUM_CORES = 2
NUM_SUBCORES = 16
NUM_WORKERS = NUM_CORES * NUM_SUBCORES

TOTAL = BATCH * HIST
PER_WORKER = TOTAL // NUM_WORKERS
CHUNK = 1280
NCHUNKS = PER_WORKER // CHUNK
NBUF = 2
OUTER = NCHUNKS // NBUF
NSTREAMS = 4
SUB = CHUNK // NSTREAMS


def _gather_body(table_hbm, idx_hbm, out_hbm, *scratch):
    idx_v = scratch[0:NBUF]
    rows_v = scratch[NBUF:2 * NBUF]
    idx_sems = scratch[2 * NBUF:3 * NBUF]
    gat_sems = scratch[3 * NBUF:3 * NBUF + NBUF * NSTREAMS]
    st_sems = scratch[3 * NBUF + NBUF * NSTREAMS:]

    wid = lax.axis_index("s") * NUM_CORES + lax.axis_index("c")
    base = wid * PER_WORKER

    def idx_start(g, b):
        pltpu.make_async_copy(
            idx_hbm.at[pl.ds(base + g * CHUNK, CHUNK)], idx_v[b], idx_sems[b]
        ).start()

    def idx_wait(b):
        pltpu.make_async_copy(
            idx_hbm.at[pl.ds(base, CHUNK)], idx_v[b], idx_sems[b]
        ).wait()

    def gather_start(b):
        for s in range(NSTREAMS):
            pltpu.make_async_copy(
                table_hbm.at[idx_v[b].at[pl.ds(s * SUB, SUB)]],
                rows_v[b].at[pl.ds(s * SUB, SUB)],
                gat_sems[b * NSTREAMS + s],
            ).start()

    def gather_wait(b):
        for s in range(NSTREAMS):
            pltpu.make_async_copy(
                table_hbm.at[idx_v[b].at[pl.ds(s * SUB, SUB)]],
                rows_v[b].at[pl.ds(s * SUB, SUB)],
                gat_sems[b * NSTREAMS + s],
            ).wait()

    def store_start(g, b):
        pltpu.make_async_copy(
            rows_v[b], out_hbm.at[pl.ds(base + g * CHUNK, CHUNK)], st_sems[b]
        ).start()

    def store_wait(b):
        pltpu.make_async_copy(
            rows_v[b], out_hbm.at[pl.ds(base, CHUNK)], st_sems[b]
        ).wait()

    for b in range(NBUF):
        idx_start(b, b)

    def outer_step(o, carry):
        for b in range(NBUF):
            g = o * NBUF + b
            def retire(c, cb):
                gather_wait(cb)
                store_start(c, cb)

                @pl.when(c + NBUF < NCHUNKS)
                def _():
                    idx_start(c + NBUF, cb)

            if b == 0:
                @pl.when(o > 0)
                def _():
                    retire(g - 1, NBUF - 1)
            else:
                retire(g - 1, b - 1)

            @pl.when(o > 0)
            def _():
                store_wait(b)

            idx_wait(b)
            gather_start(b)
        return carry

    lax.fori_loop(0, OUTER, outer_step, 0)

    last_b = (NCHUNKS - 1) % NBUF
    gather_wait(last_b)
    store_start(NCHUNKS - 1, last_b)
    for b in range(NBUF):
        store_wait(b)


_mesh = plsc.VectorSubcoreMesh(core_axis_name="c", subcore_axis_name="s")

_scratch = (
    [pltpu.VMEM((CHUNK,), jnp.int32) for _ in range(NBUF)]
    + [pltpu.VMEM((CHUNK, EMBED_DIM), jnp.float32) for _ in range(NBUF)]
    + [pltpu.SemaphoreType.DMA for _ in range(2 * NBUF + NBUF * NSTREAMS)]
)

_gather = pl.kernel(
    _gather_body,
    out_type=jax.ShapeDtypeStruct((TOTAL, EMBED_DIM), jnp.float32),
    mesh=_mesh,
    scratch_types=_scratch,
    compiler_params=pltpu.CompilerParams(
        use_tc_tiling_on_sc=False, skip_device_barrier=True
    ),
)


@jax.jit
def kernel(indices, table):
    flat = indices.reshape(TOTAL)
    out = _gather(table, flat)
    return out.reshape(BATCH, HIST, EMBED_DIM)

# --- scband reference (transcript-rebuilt; emitter-appended) ---
"""Pipeline reference for scband-custom-embedder-layer-8083128451737 (READ-ONLY COPY).

The authoritative reference and input builder live on the scoring server;
editing this copy changes nothing except your own understanding.
"""

import jax, jax.numpy as jnp
import numpy as np

VOCAB = 1000000
EMBED_DIM = 32
BATCH = 4096
HIST = 200


def setup_inputs(seed: int = 0) -> dict:
    key = jax.random.key(seed)
    k1, k2 = jax.random.split(key)
    indices = jax.random.randint(k1, (BATCH, HIST), 0, VOCAB, dtype=jnp.int32)
    # Embedding table parameter (keras Embedding default: uniform init)
    table = jax.random.uniform(k2, (VOCAB, EMBED_DIM), dtype=jnp.float32, minval=-0.05, maxval=0.05)
    return {"indices": indices, "table": table}


def reference(indices, table):
    # Embedding lookup: gather rows of the table by index.
    # mask_zero=0 (falsy) so no masking is applied.
    out = jnp.take(table, indices, axis=0)  # [BATCH, HIST, EMBED_DIM]
    return out

if __name__ == "__main__":
    import jax
    _d = setup_inputs()
    print(jax.jit(kernel)(*tuple(_d.values())))

</pallas_src>

<mosaic_0001>
#map = affine_map<(d0, d1) -> (0, 0)>
#map1 = affine_map<(d0, d1) -> (0)>
module attributes {stable_mosaic.version = 14 : i64} {
  func.func @_gather_body(%arg0: i32, %arg1: i32, %arg2: memref<1000000x32xf32, #tpu.memory_space<hbm>>, %arg3: memref<819200xi32, #tpu.memory_space<hbm>>, %arg4: memref<819200x32xf32, #tpu.memory_space<hbm>>, %arg5: memref<1280xi32, #tpu.memory_space<vmem>>, %arg6: memref<1280xi32, #tpu.memory_space<vmem>>, %arg7: memref<1280x32xf32, #tpu.memory_space<vmem>>, %arg8: memref<1280x32xf32, #tpu.memory_space<vmem>>, %arg9: memref<!tpu.dma_semaphore, #tpu.memory_space<semaphore_mem>>, %arg10: memref<!tpu.dma_semaphore, #tpu.memory_space<semaphore_mem>>, %arg11: memref<!tpu.dma_semaphore, #tpu.memory_space<semaphore_mem>>, %arg12: memref<!tpu.dma_semaphore, #tpu.memory_space<semaphore_mem>>, %arg13: memref<!tpu.dma_semaphore, #tpu.memory_space<semaphore_mem>>, %arg14: memref<!tpu.dma_semaphore, #tpu.memory_space<semaphore_mem>>, %arg15: memref<!tpu.dma_semaphore, #tpu.memory_space<semaphore_mem>>, %arg16: memref<!tpu.dma_semaphore, #tpu.memory_space<semaphore_mem>>, %arg17: memref<!tpu.dma_semaphore, #tpu.memory_space<semaphore_mem>>, %arg18: memref<!tpu.dma_semaphore, #tpu.memory_space<semaphore_mem>>, %arg19: memref<!tpu.dma_semaphore, #tpu.memory_space<semaphore_mem>>, %arg20: memref<!tpu.dma_semaphore, #tpu.memory_space<semaphore_mem>>) attributes {dimension_semantics = [#tpu.dimension_semantics<core_parallel>, #tpu.dimension_semantics<subcore_parallel>], iteration_bounds = array<i64: 2, 16>, scalar_prefetch = 0 : i64, scratch_operands = 16 : i64, tpu.core_type = #tpu.core_type<sc_vector_subcore>, window_params = [{transform_indices = #map}, {transform_indices = #map1}, {transform_indices = #map}]} {
    %mul3A = arith.constant 2 : i32
    %mul3A_0 = arith.muli %arg1, %mul3A : i32
    %add3A = arith.addi %mul3A_0, %arg0 : i32
    %mul3A_1 = arith.constant 25600 : i32
    %mul3A_2 = arith.muli %add3A, %mul3A_1 : i32
    %add3A_3 = arith.constant 0 : i32
    %add3A_4 = arith.addi %mul3A_2, %add3A_3 : i32
    %dma_start3A = tpu.memref_slice %arg3[%add3A_4] : memref<819200xi32, #tpu.memory_space<hbm>> -> memref<1280xi32, #tpu.memory_space<hbm>>
    %dma_start3A_5 = tpu.memref_slice %arg3[%add3A_4] : memref<819200xi32, #tpu.memory_space<hbm>> -> memref<1280xi32, #tpu.memory_space<hbm>>
    tpu.enqueue_dma source(%dma_start3A_5 : memref<1280xi32, #tpu.memory_space<hbm>>) target(%arg5 : memref<1280xi32, #tpu.memory_space<vmem>>) target_semaphore(%arg9 : memref<!tpu.dma_semaphore, #tpu.memory_space<semaphore_mem>>)
    %add3A_6 = arith.constant 1280 : i32
    %add3A_7 = arith.addi %mul3A_2, %add3A_6 : i32
    %dma_start3A_8 = tpu.memref_slice %arg3[%add3A_7] : memref<819200xi32, #tpu.memory_space<hbm>> -> memref<1280xi32, #tpu.memory_space<hbm>>
    %dma_start3A_9 = tpu.memref_slice %arg3[%add3A_7] : memref<819200xi32, #tpu.memory_space<hbm>> -> memref<1280xi32, #tpu.memory_space<hbm>>
    tpu.enqueue_dma source(%dma_start3A_9 : memref<1280xi32, #tpu.memory_space<hbm>>) target(%arg6 : memref<1280xi32, #tpu.memory_space<vmem>>) target_semaphore(%arg10 : memref<!tpu.dma_semaphore, #tpu.memory_space<semaphore_mem>>)
    %scan3A = arith.constant 0 : i32
    %scan3A_10 = arith.constant 0 : i32
    %scan3A_11 = arith.constant 10 : i32
    %scan3A_12 = arith.addi %scan3A_10, %scan3A_11 : i32
    %scan3A_13 = arith.constant 1 : i32
    scf.for %scan3A_60 = %scan3A_10 to %scan3A_12 step %scan3A_13  : i32 {
      %mul3A_61 = arith.constant 2 : i32
      %mul3A_62 = arith.muli %scan3A_60, %mul3A_61 : i32
      %add3A_63 = arith.constant 0 : i32
      %add3A_64 = arith.addi %mul3A_62, %add3A_63 : i32
      %gt3A = arith.constant 0 : i32
      %gt3A_65 = arith.cmpi sgt, %scan3A_60, %gt3A : i32
      %convert_element_type3A = arith.extui %gt3A_65 : i1 to i32
      %cond3A = arith.constant 0 : i32
      %cond3A_66 = arith.cmpi ne, %convert_element_type3A, %cond3A : i32
      scf.if %cond3A_66 {
        %sub3A_195 = arith.constant 1 : i32
        %sub3A_196 = arith.subi %add3A_64, %sub3A_195 : i32
        %dma_wait3A_197 = arith.constant 0 : i32
        %dma_wait3A_198 = arith.constant 0 : i32
        %dma_wait3A_199 = tpu.memref_slice %arg8[%dma_wait3A_197, %dma_wait3A_198] : memref<1280x32xf32, #tpu.memory_space<vmem>> -> memref<320x32xf32, #tpu.memory_space<vmem>>
        %dma_wait3A_200 = arith.constant 0 : i32
        %dma_wait3A_201 = tpu.memref_slice %arg6[%dma_wait3A_200] : memref<1280xi32, #tpu.memory_space<vmem>> -> memref<320xi32, #tpu.memory_space<vmem>>
        %dma_wait3A_202 = arith.constant 0 : i32
        %dma_wait3A_203 = arith.constant 0 : i32
        %dma_wait3A_204 = tpu.memref_slice %arg2[%dma_wait3A_202, %dma_wait3A_203] : memref<1000000x32xf32, #tpu.memory_space<hbm>> -> memref<1000000x32xf32, #tpu.memory_space<hbm>>
        tpu.wait_indirect_dma semaphore(%arg15 : memref<!tpu.dma_semaphore, #tpu.memory_space<semaphore_mem>>) src(%dma_wait3A_204 : memref<1000000x32xf32, #tpu.memory_space<hbm>>) dst(%dma_wait3A_199 : memref<320x32xf32, #tpu.memory_space<vmem>>)
        %dma_wait3A_205 = arith.constant 320 : i32
        %dma_wait3A_206 = arith.constant 0 : i32
        %dma_wait3A_207 = tpu.memref_slice %arg8[%dma_wait3A_205, %dma_wait3A_206] : memref<1280x32xf32, #tpu.memory_space<vmem>> -> memref<320x32xf32, #tpu.memory_space<vmem>>
        %dma_wait3A_208 = arith.constant 320 : i32
        %dma_wait3A_209 = tpu.memref_slice %arg6[%dma_wait3A_208] : memref<1280xi32, #tpu.memory_space<vmem>> -> memref<320xi32, #tpu.memory_space<vmem>>
        %dma_wait3A_210 = arith.constant 0 : i32
        %dma_wait3A_211 = arith.constant 0 : i32
        %dma_wait3A_212 = tpu.memref_slice %arg2[%dma_wait3A_210, %dma_wait3A_211] : memref<1000000x32xf32, #tpu.memory_space<hbm>> -> memref<1000000x32xf32, #tpu.memory_space<hbm>>
        tpu.wait_indirect_dma semaphore(%arg16 : memref<!tpu.dma_semaphore, #tpu.memory_space<semaphore_mem>>) src(%dma_wait3A_212 : memref<1000000x32xf32, #tpu.memory_space<hbm>>) dst(%dma_wait3A_207 : memref<320x32xf32, #tpu.memory_space<vmem>>)
        %dma_wait3A_213 = arith.constant 640 : i32
        %dma_wait3A_214 = arith.constant 0 : i32
        %dma_wait3A_215 = tpu.memref_slice %arg8[%dma_wait3A_213, %dma_wait3A_214] : memref<1280x32xf32, #tpu.memory_space<vmem>> -> memref<320x32xf32, #tpu.memory_space<vmem>>
        %dma_wait3A_216 = arith.constant 640 : i32
        %dma_wait3A_217 = tpu.memref_slice %arg6[%dma_wait3A_216] : memref<1280xi32, #tpu.memory_space<vmem>> -> memref<320xi32, #tpu.memory_space<vmem>>
        %dma_wait3A_218 = arith.constant 0 : i32
        %dma_wait3A_219 = arith.constant 0 : i32
        %dma_wait3A_220 = tpu.memref_slice %arg2[%dma_wait3A_218, %dma_wait3A_219] : memref<1000000x32xf32, #tpu.memory_space<hbm>> -> memref<1000000x32xf32, #tpu.memory_space<hbm>>
        tpu.wait_indirect_dma semaphore(%arg17 : memref<!tpu.dma_semaphore, #tpu.memory_space<semaphore_mem>>) src(%dma_wait3A_220 : memref<1000000x32xf32, #tpu.memory_space<hbm>>) dst(%dma_wait3A_215 : memref<320x32xf32, #tpu.memory_space<vmem>>)
        %dma_wait3A_221 = arith.constant 960 : i32
        %dma_wait3A_222 = arith.constant 0 : i32
        %dma_wait3A_223 = tpu.memref_slice %arg8[%dma_wait3A_221, %dma_wait3A_222] : memref<1280x32xf32, #tpu.memory_space<vmem>> -> memref<320x32xf32, #tpu.memory_space<vmem>>
        %dma_wait3A_224 = arith.constant 960 : i32
        %dma_wait3A_225 = tpu.memref_slice %arg6[%dma_wait3A_224] : memref<1280xi32, #tpu.memory_space<vmem>> -> memref<320xi32, #tpu.memory_space<vmem>>
        %dma_wait3A_226 = arith.constant 0 : i32
        %dma_wait3A_227 = arith.constant 0 : i32
        %dma_wait3A_228 = tpu.memref_slice %arg2[%dma_wait3A_226, %dma_wait3A_227] : memref<1000000x32xf32, #tpu.memory_space<hbm>> -> memref<1000000x32xf32, #tpu.memory_space<hbm>>
        tpu.wait_indirect_dma semaphore(%arg18 : memref<!tpu.dma_semaphore, #tpu.memory_space<semaphore_mem>>) src(%dma_wait3A_228 : memref<1000000x32xf32, #tpu.memory_space<hbm>>) dst(%dma_wait3A_223 : memref<320x32xf32, #tpu.memory_space<vmem>>)
        %mul3A_229 = arith.constant 1280 : i32
        %mul3A_230 = arith.muli %sub3A_196, %mul3A_229 : i32
        %add3A_231 = arith.addi %mul3A_2, %mul3A_230 : i32
        %dma_start3A_232 = arith.constant 0 : i32
        %dma_start3A_233 = tpu.memref_slice %arg4[%add3A_231, %dma_start3A_232] : memref<819200x32xf32, #tpu.memory_space<hbm>> -> memref<1280x32xf32, #tpu.memory_space<hbm>>
        %dma_start3A_234 = arith.constant 0 : i32
        %dma_start3A_235 = tpu.memref_slice %arg4[%add3A_231, %dma_start3A_234] : memref<819200x32xf32, #tpu.memory_space<hbm>> -> memref<1280x32xf32, #tpu.memory_space<hbm>>
        tpu.enqueue_dma source(%arg8 : memref<1280x32xf32, #tpu.memory_space<vmem>>) target(%dma_start3A_235 : memref<1280x32xf32, #tpu.memory_space<hbm>>) target_semaphore(%arg20 : memref<!tpu.dma_semaphore, #tpu.memory_space<semaphore_mem>>)
        %add3A_236 = arith.constant 2 : i32
        %add3A_237 = arith.addi %sub3A_196, %add3A_236 : i32
        %lt3A_238 = arith.constant 20 : i32
        %lt3A_239 = arith.cmpi slt, %add3A_237, %lt3A_238 : i32
        %convert_element_type3A_240 = arith.extui %lt3A_239 : i1 to i32
        %cond3A_241 = arith.constant 0 : i32
        %cond3A_242 = arith.cmpi ne, %convert_element_type3A_240, %cond3A_241 : i32
        scf.if %cond3A_242 {
          %add3A_243 = arith.constant 2 : i32
          %add3A_244 = arith.addi %sub3A_196, %add3A_243 : i32
          %mul3A_245 = arith.constant 1280 : i32
          %mul3A_246 = arith.muli %add3A_244, %mul3A_245 : i32
          %add3A_247 = arith.addi %mul3A_2, %mul3A_246 : i32
          %dma_start3A_248 = tpu.memref_slice %arg3[%add3A_247] : memref<819200xi32, #tpu.memory_space<hbm>> -> memref<1280xi32, #tpu.memory_space<hbm>>
          %dma_start3A_249 = tpu.memref_slice %arg3[%add3A_247] : memref<819200xi32, #tpu.memory_space<hbm>> -> memref<1280xi32, #tpu.memory_space<hbm>>
          tpu.enqueue_dma source(%dma_start3A_249 : memref<1280xi32, #tpu.memory_space<hbm>>) target(%arg6 : memref<1280xi32, #tpu.memory_space<vmem>>) target_semaphore(%arg10 : memref<!tpu.dma_semaphore, #tpu.memory_space<semaphore_mem>>)
        } else {
        }
      } else {
      }
      %gt3A_67 = arith.constant 0 : i32
      %gt3A_68 = arith.cmpi sgt, %scan3A_60, %gt3A_67 : i32
      %convert_element_type3A_69 = arith.extui %gt3A_68 : i1 to i32
      %cond3A_70 = arith.constant 0 : i32
      %cond3A_71 = arith.cmpi ne, %convert_element_type3A_69, %cond3A_70 : i32
      scf.if %cond3A_71 {
        %dma_wait3A_195 = arith.constant 0 : i32
        %dma_wait3A_196 = tpu.memref_slice %arg4[%mul3A_2, %dma_wait3A_195] : memref<819200x32xf32, #tpu.memory_space<hbm>> -> memref<1280x32xf32, #tpu.memory_space<hbm>>
        %dma_wait3A_197 = arith.constant 0 : i32
        %dma_wait3A_198 = tpu.memref_slice %arg4[%mul3A_2, %dma_wait3A_197] : memref<819200x32xf32, #tpu.memory_space<hbm>> -> memref<1280x32xf32, #tpu.memory_space<hbm>>
        tpu.wait_dma2 semaphore(%arg19 : memref<!tpu.dma_semaphore, #tpu.memory_space<semaphore_mem>>) src(%arg7 : memref<1280x32xf32, #tpu.memory_space<vmem>>) dst(%dma_wait3A_198 : memref<1280x32xf32, #tpu.memory_space<hbm>>)
      } else {
      }
      %dma_wait3A_72 = tpu.memref_slice %arg3[%mul3A_2] : memref<819200xi32, #tpu.memory_space<hbm>> -> memref<1280xi32, #tpu.memory_space<hbm>>
      %dma_wait3A_73 = tpu.memref_slice %arg3[%mul3A_2] : memref<819200xi32, #tpu.memory_space<hbm>> -> memref<1280xi32, #tpu.memory_space<hbm>>
      tpu.wait_dma2 semaphore(%arg9 : memref<!tpu.dma_semaphore, #tpu.memory_space<semaphore_mem>>) src(%dma_wait3A_73 : memref<1280xi32, #tpu.memory_space<hbm>>) dst(%arg5 : memref<1280xi32, #tpu.memory_space<vmem>>)
      %dma_start3A_74 = arith.constant 0 : i32
      %dma_start3A_75 = arith.constant 0 : i32
      %dma_start3A_76 = tpu.memref_slice %arg7[%dma_start3A_74, %dma_start3A_75] : memref<1280x32xf32, #tpu.memory_space<vmem>> -> memref<320x32xf32, #tpu.memory_space<vmem>>
      %dma_start3A_77 = arith.constant 0 : i32
      %dma_start3A_78 = tpu.memref_slice %arg5[%dma_start3A_77] : memref<1280xi32, #tpu.memory_space<vmem>> -> memref<320xi32, #tpu.memory_space<vmem>>
      %dma_start3A_79 = arith.constant 0 : i32
      %dma_start3A_80 = arith.constant 0 : i32
      %dma_start3A_81 = tpu.memref_slice %arg2[%dma_start3A_79, %dma_start3A_80] : memref<1000000x32xf32, #tpu.memory_space<hbm>> -> memref<1000000x32xf32, #tpu.memory_space<hbm>>
      tpu.enqueue_indirect_dma source(%dma_start3A_81 : memref<1000000x32xf32, #tpu.memory_space<hbm>>) target(%dma_start3A_76 : memref<320x32xf32, #tpu.memory_space<vmem>>) offsets(%dma_start3A_78 : memref<320xi32, #tpu.memory_space<vmem>>) semaphore(%arg11 : memref<!tpu.dma_semaphore, #tpu.memory_space<semaphore_mem>>)
      %dma_start3A_82 = arith.constant 320 : i32
      %dma_start3A_83 = arith.constant 0 : i32
      %dma_start3A_84 = tpu.memref_slice %arg7[%dma_start3A_82, %dma_start3A_83] : memref<1280x32xf32, #tpu.memory_space<vmem>> -> memref<320x32xf32, #tpu.memory_space<vmem>>
      %dma_start3A_85 = arith.constant 320 : i32
      %dma_start3A_86 = tpu.memref_slice %arg5[%dma_start3A_85] : memref<1280xi32, #tpu.memory_space<vmem>> -> memref<320xi32, #tpu.memory_space<vmem>>
      %dma_start3A_87 = arith.constant 0 : i32
      %dma_start3A_88 = arith.constant 0 : i32
      %dma_start3A_89 = tpu.memref_slice %arg2[%dma_start3A_87, %dma_start3A_88] : memref<1000000x32xf32, #tpu.memory_space<hbm>> -> memref<1000000x32xf32, #tpu.memory_space<hbm>>
      tpu.enqueue_indirect_dma source(%dma_start3A_89 : memref<1000000x32xf32, #tpu.memory_space<hbm>>) target(%dma_start3A_84 : memref<320x32xf32, #tpu.memory_space<vmem>>) offsets(%dma_start3A_86 : memref<320xi32, #tpu.memory_space<vmem>>) semaphore(%arg12 : memref<!tpu.dma_semaphore, #tpu.memory_space<semaphore_mem>>)
      %dma_start3A_90 = arith.constant 640 : i32
      %dma_start3A_91 = arith.constant 0 : i32
      %dma_start3A_92 = tpu.memref_slice %arg7[%dma_start3A_90, %dma_start3A_91] : memref<1280x32xf32, #tpu.memory_space<vmem>> -> memref<320x32xf32, #tpu.memory_space<vmem>>
      %dma_start3A_93 = arith.constant 640 : i32
      %dma_start3A_94 = tpu.memref_slice %arg5[%dma_start3A_93] : memref<1280xi32, #tpu.memory_space<vmem>> -> memref<320xi32, #tpu.memory_space<vmem>>
      %dma_start3A_95 = arith.constant 0 : i32
      %dma_start3A_96 = arith.constant 0 : i32
      %dma_start3A_97 = tpu.memref_slice %arg2[%dma_start3A_95, %dma_start3A_96] : memref<1000000x32xf32, #tpu.memory_space<hbm>> -> memref<1000000x32xf32, #tpu.memory_space<hbm>>
      tpu.enqueue_indirect_dma source(%dma_start3A_97 : memref<1000000x32xf32, #tpu.memory_space<hbm>>) target(%dma_start3A_92 : memref<320x32xf32, #tpu.memory_space<vmem>>) offsets(%dma_start3A_94 : memref<320xi32, #tpu.memory_space<vmem>>) semaphore(%arg13 : memref<!tpu.dma_semaphore, #tpu.memory_space<semaphore_mem>>)
      %dma_start3A_98 = arith.constant 960 : i32
      %dma_start3A_99 = arith.constant 0 : i32
      %dma_start3A_100 = tpu.memref_slice %arg7[%dma_start3A_98, %dma_start3A_99] : memref<1280x32xf32, #tpu.memory_space<vmem>> -> memref<320x32xf32, #tpu.memory_space<vmem>>
      %dma_start3A_101 = arith.constant 960 : i32
      %dma_start3A_102 = tpu.memref_slice %arg5[%dma_start3A_101] : memref<1280xi32, #tpu.memory_space<vmem>> -> memref<320xi32, #tpu.memory_space<vmem>>
      %dma_start3A_103 = arith.constant 0 : i32
      %dma_start3A_104 = arith.constant 0 : i32
      %dma_start3A_105 = tpu.memref_slice %arg2[%dma_start3A_103, %dma_start3A_104] : memref<1000000x32xf32, #tpu.memory_space<hbm>> -> memref<1000000x32xf32, #tpu.memory_space<hbm>>
      tpu.enqueue_indirect_dma source(%dma_start3A_105 : memref<1000000x32xf32, #tpu.memory_space<hbm>>) target(%dma_start3A_100 : memref<320x32xf32, #tpu.memory_space<vmem>>) offsets(%dma_start3A_102 : memref<320xi32, #tpu.memory_space<vmem>>) semaphore(%arg14 : memref<!tpu.dma_semaphore, #tpu.memory_space<semaphore_mem>>)
      %mul3A_106 = arith.constant 2 : i32
      %mul3A_107 = arith.muli %scan3A_60, %mul3A_106 : i32
      %add3A_108 = arith.constant 1 : i32
      %add3A_109 = arith.addi %mul3A_107, %add3A_108 : i32
      %sub3A = arith.constant 1 : i32
      %sub3A_110 = arith.subi %add3A_109, %sub3A : i32
      %dma_wait3A_111 = arith.constant 0 : i32
      %dma_wait3A_112 = arith.constant 0 : i32
      %dma_wait3A_113 = tpu.memref_slice %arg7[%dma_wait3A_111, %dma_wait3A_112] : memref<1280x32xf32, #tpu.memory_space<vmem>> -> memref<320x32xf32, #tpu.memory_space<vmem>>
      %dma_wait3A_114 = arith.constant 0 : i32
      %dma_wait3A_115 = tpu.memref_slice %arg5[%dma_wait3A_114] : memref<1280xi32, #tpu.memory_space<vmem>> -> memref<320xi32, #tpu.memory_space<vmem>>
      %dma_wait3A_116 = arith.constant 0 : i32
      %dma_wait3A_117 = arith.constant 0 : i32
      %dma_wait3A_118 = tpu.memref_slice %arg2[%dma_wait3A_116, %dma_wait3A_117] : memref<1000000x32xf32, #tpu.memory_space<hbm>> -> memref<1000000x32xf32, #tpu.memory_space<hbm>>
      tpu.wait_indirect_dma semaphore(%arg11 : memref<!tpu.dma_semaphore, #tpu.memory_space<semaphore_mem>>) src(%dma_wait3A_118 : memref<1000000x32xf32, #tpu.memory_space<hbm>>) dst(%dma_wait3A_113 : memref<320x32xf32, #tpu.memory_space<vmem>>)
      %dma_wait3A_119 = arith.constant 320 : i32
      %dma_wait3A_120 = arith.constant 0 : i32
      %dma_wait3A_121 = tpu.memref_slice %arg7[%dma_wait3A_119, %dma_wait3A_120] : memref<1280x32xf32, #tpu.memory_space<vmem>> -> memref<320x32xf32, #tpu.memory_space<vmem>>
      %dma_wait3A_122 = arith.constant 320 : i32
      %dma_wait3A_123 = tpu.memref_slice %arg5[%dma_wait3A_122] : memref<1280xi32, #tpu.memory_space<vmem>> -> memref<320xi32, #tpu.memory_space<vmem>>
      %dma_wait3A_124 = arith.constant 0 : i32
      %dma_wait3A_125 = arith.constant 0 : i32
      %dma_wait3A_126 = tpu.memref_slice %arg2[%dma_wait3A_124, %dma_wait3A_125] : memref<1000000x32xf32, #tpu.memory_space<hbm>> -> memref<1000000x32xf32, #tpu.memory_space<hbm>>
      tpu.wait_indirect_dma semaphore(%arg12 : memref<!tpu.dma_semaphore, #tpu.memory_space<semaphore_mem>>) src(%dma_wait3A_126 : memref<1000000x32xf32, #tpu.memory_space<hbm>>) dst(%dma_wait3A_121 : memref<320x32xf32, #tpu.memory_space<vmem>>)
      %dma_wait3A_127 = arith.constant 640 : i32
      %dma_wait3A_128 = arith.constant 0 : i32
      %dma_wait3A_129 = tpu.memref_slice %arg7[%dma_wait3A_127, %dma_wait3A_128] : memref<1280x32xf32, #tpu.memory_space<vmem>> -> memref<320x32xf32, #tpu.memory_space<vmem>>
      %dma_wait3A_130 = arith.constant 640 : i32
      %dma_wait3A_131 = tpu.memref_slice %arg5[%dma_wait3A_130] : memref<1280xi32, #tpu.memory_space<vmem>> -> memref<320xi32, #tpu.memory_space<vmem>>
      %dma_wait3A_132 = arith.constant 0 : i32
      %dma_wait3A_133 = arith.constant 0 : i32
      %dma_wait3A_134 = tpu.memref_slice %arg2[%dma_wait3A_132, %dma_wait3A_133] : memref<1000000x32xf32, #tpu.memory_space<hbm>> -> memref<1000000x32xf32, #tpu.memory_space<hbm>>
      tpu.wait_indirect_dma semaphore(%arg13 : memref<!tpu.dma_semaphore, #tpu.memory_space<semaphore_mem>>) src(%dma_wait3A_134 : memref<1000000x32xf32, #tpu.memory_space<hbm>>) dst(%dma_wait3A_129 : memref<320x32xf32, #tpu.memory_space<vmem>>)
      %dma_wait3A_135 = arith.constant 960 : i32
      %dma_wait3A_136 = arith.constant 0 : i32
      %dma_wait3A_137 = tpu.memref_slice %arg7[%dma_wait3A_135, %dma_wait3A_136] : memref<1280x32xf32, #tpu.memory_space<vmem>> -> memref<320x32xf32, #tpu.memory_space<vmem>>
      %dma_wait3A_138 = arith.constant 960 : i32
      %dma_wait3A_139 = tpu.memref_slice %arg5[%dma_wait3A_138] : memref<1280xi32, #tpu.memory_space<vmem>> -> memref<320xi32, #tpu.memory_space<vmem>>
      %dma_wait3A_140 = arith.constant 0 : i32
      %dma_wait3A_141 = arith.constant 0 : i32
      %dma_wait3A_142 = tpu.memref_slice %arg2[%dma_wait3A_140, %dma_wait3A_141] : memref<1000000x32xf32, #tpu.memory_space<hbm>> -> memref<1000000x32xf32, #tpu.memory_space<hbm>>
      tpu.wait_indirect_dma semaphore(%arg14 : memref<!tpu.dma_semaphore, #tpu.memory_space<semaphore_mem>>) src(%dma_wait3A_142 : memref<1000000x32xf32, #tpu.memory_space<hbm>>) dst(%dma_wait3A_137 : memref<320x32xf32, #tpu.memory_space<vmem>>)
      %mul3A_143 = arith.constant 1280 : i32
      %mul3A_144 = arith.muli %sub3A_110, %mul3A_143 : i32
      %add3A_145 = arith.addi %mul3A_2, %mul3A_144 : i32
      %dma_start3A_146 = arith.constant 0 : i32
      %dma_start3A_147 = tpu.memref_slice %arg4[%add3A_145, %dma_start3A_146] : memref<819200x32xf32, #tpu.memory_space<hbm>> -> memref<1280x32xf32, #tpu.memory_space<hbm>>
      %dma_start3A_148 = arith.constant 0 : i32
      %dma_start3A_149 = tpu.memref_slice %arg4[%add3A_145, %dma_start3A_148] : memref<819200x32xf32, #tpu.memory_space<hbm>> -> memref<1280x32xf32, #tpu.memory_space<hbm>>
      tpu.enqueue_dma source(%arg7 : memref<1280x32xf32, #tpu.memory_space<vmem>>) target(%dma_start3A_149 : memref<1280x32xf32, #tpu.memory_space<hbm>>) target_semaphore(%arg19 : memref<!tpu.dma_semaphore, #tpu.memory_space<semaphore_mem>>)
      %add3A_150 = arith.constant 2 : i32
      %add3A_151 = arith.addi %sub3A_110, %add3A_150 : i32
      %lt3A = arith.constant 20 : i32
      %lt3A_152 = arith.cmpi slt, %add3A_151, %lt3A : i32
      %convert_element_type3A_153 = arith.extui %lt3A_152 : i1 to i32
      %cond3A_154 = arith.constant 0 : i32
      %cond3A_155 = arith.cmpi ne, %convert_element_type3A_153, %cond3A_154 : i32
      scf.if %cond3A_155 {
        %add3A_195 = arith.constant 2 : i32
        %add3A_196 = arith.addi %sub3A_110, %add3A_195 : i32
        %mul3A_197 = arith.constant 1280 : i32
        %mul3A_198 = arith.muli %add3A_196, %mul3A_197 : i32
        %add3A_199 = arith.addi %mul3A_2, %mul3A_198 : i32
        %dma_start3A_200 = tpu.memref_slice %arg3[%add3A_199] : memref<819200xi32, #tpu.memory_space<hbm>> -> memref<1280xi32, #tpu.memory_space<hbm>>
        %dma_start3A_201 = tpu.memref_slice %arg3[%add3A_199] : memref<819200xi32, #tpu.memory_space<hbm>> -> memref<1280xi32, #tpu.memory_space<hbm>>
        tpu.enqueue_dma source(%dma_start3A_201 : memref<1280xi32, #tpu.memory_space<hbm>>) target(%arg5 : memref<1280xi32, #tpu.memory_space<vmem>>) target_semaphore(%arg9 : memref<!tpu.dma_semaphore, #tpu.memory_space<semaphore_mem>>)
      } else {
      }
      %gt3A_156 = arith.constant 0 : i32
      %gt3A_157 = arith.cmpi sgt, %scan3A_60, %gt3A_156 : i32
      %convert_element_type3A_158 = arith.extui %gt3A_157 : i1 to i32
      %cond3A_159 = arith.constant 0 : i32
      %cond3A_160 = arith.cmpi ne, %convert_element_type3A_158, %cond3A_159 : i32
      scf.if %cond3A_160 {
        %dma_wait3A_195 = arith.constant 0 : i32
        %dma_wait3A_196 = tpu.memref_slice %arg4[%mul3A_2, %dma_wait3A_195] : memref<819200x32xf32, #tpu.memory_space<hbm>> -> memref<1280x32xf32, #tpu.memory_space<hbm>>
        %dma_wait3A_197 = arith.constant 0 : i32
        %dma_wait3A_198 = tpu.memref_slice %arg4[%mul3A_2, %dma_wait3A_197] : memref<819200x32xf32, #tpu.memory_space<hbm>> -> memref<1280x32xf32, #tpu.memory_space<hbm>>
        tpu.wait_dma2 semaphore(%arg20 : memref<!tpu.dma_semaphore, #tpu.memory_space<semaphore_mem>>) src(%arg8 : memref<1280x32xf32, #tpu.memory_space<vmem>>) dst(%dma_wait3A_198 : memref<1280x32xf32, #tpu.memory_space<hbm>>)
      } else {
      }
      %dma_wait3A_161 = tpu.memref_slice %arg3[%mul3A_2] : memref<819200xi32, #tpu.memory_space<hbm>> -> memref<1280xi32, #tpu.memory_space<hbm>>
      %dma_wait3A_162 = tpu.memref_slice %arg3[%mul3A_2] : memref<819200xi32, #tpu.memory_space<hbm>> -> memref<1280xi32, #tpu.memory_space<hbm>>
      tpu.wait_dma2 semaphore(%arg10 : memref<!tpu.dma_semaphore, #tpu.memory_space<semaphore_mem>>) src(%dma_wait3A_162 : memref<1280xi32, #tpu.memory_space<hbm>>) dst(%arg6 : memref<1280xi32, #tpu.memory_space<vmem>>)
      %dma_start3A_163 = arith.constant 0 : i32
      %dma_start3A_164 = arith.constant 0 : i32
      %dma_start3A_165 = tpu.memref_slice %arg8[%dma_start3A_163, %dma_start3A_164] : memref<1280x32xf32, #tpu.memory_space<vmem>> -> memref<320x32xf32, #tpu.memory_space<vmem>>
      %dma_start3A_166 = arith.constant 0 : i32
      %dma_start3A_167 = tpu.memref_slice %arg6[%dma_start3A_166] : memref<1280xi32, #tpu.memory_space<vmem>> -> memref<320xi32, #tpu.memory_space<vmem>>
      %dma_start3A_168 = arith.constant 0 : i32
      %dma_start3A_169 = arith.constant 0 : i32
      %dma_start3A_170 = tpu.memref_slice %arg2[%dma_start3A_168, %dma_start3A_169] : memref<1000000x32xf32, #tpu.memory_space<hbm>> -> memref<1000000x32xf32, #tpu.memory_space<hbm>>
      tpu.enqueue_indirect_dma source(%dma_start3A_170 : memref<1000000x32xf32, #tpu.memory_space<hbm>>) target(%dma_start3A_165 : memref<320x32xf32, #tpu.memory_space<vmem>>) offsets(%dma_start3A_167 : memref<320xi32, #tpu.memory_space<vmem>>) semaphore(%arg15 : memref<!tpu.dma_semaphore, #tpu.memory_space<semaphore_mem>>)
      %dma_start3A_171 = arith.constant 320 : i32
      %dma_start3A_172 = arith.constant 0 : i32
      %dma_start3A_173 = tpu.memref_slice %arg8[%dma_start3A_171, %dma_start3A_172] : memref<1280x32xf32, #tpu.memory_space<vmem>> -> memref<320x32xf32, #tpu.memory_space<vmem>>
      %dma_start3A_174 = arith.constant 320 : i32
      %dma_start3A_175 = tpu.memref_slice %arg6[%dma_start3A_174] : memref<1280xi32, #tpu.memory_space<vmem>> -> memref<320xi32, #tpu.memory_space<vmem>>
      %dma_start3A_176 = arith.constant 0 : i32
      %dma_start3A_177 = arith.constant 0 : i32
      %dma_start3A_178 = tpu.memref_slice %arg2[%dma_start3A_176, %dma_start3A_177] : memref<1000000x32xf32, #tpu.memory_space<hbm>> -> memref<1000000x32xf32, #tpu.memory_space<hbm>>
      tpu.enqueue_indirect_dma source(%dma_start3A_178 : memref<1000000x32xf32, #tpu.memory_space<hbm>>) target(%dma_start3A_173 : memref<320x32xf32, #tpu.memory_space<vmem>>) offsets(%dma_start3A_175 : memref<320xi32, #tpu.memory_space<vmem>>) semaphore(%arg16 : memref<!tpu.dma_semaphore, #tpu.memory_space<semaphore_mem>>)
      %dma_start3A_179 = arith.constant 640 : i32
      %dma_start3A_180 = arith.constant 0 : i32
      %dma_start3A_181 = tpu.memref_slice %arg8[%dma_start3A_179, %dma_start3A_180] : memref<1280x32xf32, #tpu.memory_space<vmem>> -> memref<320x32xf32, #tpu.memory_space<vmem>>
      %dma_start3A_182 = arith.constant 640 : i32
      %dma_start3A_183 = tpu.memref_slice %arg6[%dma_start3A_182] : memref<1280xi32, #tpu.memory_space<vmem>> -> memref<320xi32, #tpu.memory_space<vmem>>
      %dma_start3A_184 = arith.constant 0 : i32
      %dma_start3A_185 = arith.constant 0 : i32
      %dma_start3A_186 = tpu.memref_slice %arg2[%dma_start3A_184, %dma_start3A_185] : memref<1000000x32xf32, #tpu.memory_space<hbm>> -> memref<1000000x32xf32, #tpu.memory_space<hbm>>
      tpu.enqueue_indirect_dma source(%dma_start3A_186 : memref<1000000x32xf32, #tpu.memory_space<hbm>>) target(%dma_start3A_181 : memref<320x32xf32, #tpu.memory_space<vmem>>) offsets(%dma_start3A_183 : memref<320xi32, #tpu.memory_space<vmem>>) semaphore(%arg17 : memref<!tpu.dma_semaphore, #tpu.memory_space<semaphore_mem>>)
      %dma_start3A_187 = arith.constant 960 : i32
      %dma_start3A_188 = arith.constant 0 : i32
      %dma_start3A_189 = tpu.memref_slice %arg8[%dma_start3A_187, %dma_start3A_188] : memref<1280x32xf32, #tpu.memory_space<vmem>> -> memref<320x32xf32, #tpu.memory_space<vmem>>
      %dma_start3A_190 = arith.constant 960 : i32
      %dma_start3A_191 = tpu.memref_slice %arg6[%dma_start3A_190] : memref<1280xi32, #tpu.memory_space<vmem>> -> memref<320xi32, #tpu.memory_space<vmem>>
      %dma_start3A_192 = arith.constant 0 : i32
      %dma_start3A_193 = arith.constant 0 : i32
      %dma_start3A_194 = tpu.memref_slice %arg2[%dma_start3A_192, %dma_start3A_193] : memref<1000000x32xf32, #tpu.memory_space<hbm>> -> memref<1000000x32xf32, #tpu.memory_space<hbm>>
      tpu.enqueue_indirect_dma source(%dma_start3A_194 : memref<1000000x32xf32, #tpu.memory_space<hbm>>) target(%dma_start3A_189 : memref<320x32xf32, #tpu.memory_space<vmem>>) offsets(%dma_start3A_191 : memref<320xi32, #tpu.memory_space<vmem>>) semaphore(%arg18 : memref<!tpu.dma_semaphore, #tpu.memory_space<semaphore_mem>>)
    }
    %scan3A_14 = arith.constant 10 : i32
    %dma_wait3A = arith.constant 0 : i32
    %dma_wait3A_15 = arith.constant 0 : i32
    %dma_wait3A_16 = tpu.memref_slice %arg8[%dma_wait3A, %dma_wait3A_15] : memref<1280x32xf32, #tpu.memory_space<vmem>> -> memref<320x32xf32, #tpu.memory_space<vmem>>
    %dma_wait3A_17 = arith.constant 0 : i32
    %dma_wait3A_18 = tpu.memref_slice %arg6[%dma_wait3A_17] : memref<1280xi32, #tpu.memory_space<vmem>> -> memref<320xi32, #tpu.memory_space<vmem>>
    %dma_wait3A_19 = arith.constant 0 : i32
    %dma_wait3A_20 = arith.constant 0 : i32
    %dma_wait3A_21 = tpu.memref_slice %arg2[%dma_wait3A_19, %dma_wait3A_20] : memref<1000000x32xf32, #tpu.memory_space<hbm>> -> memref<1000000x32xf32, #tpu.memory_space<hbm>>
    tpu.wait_indirect_dma semaphore(%arg15 : memref<!tpu.dma_semaphore, #tpu.memory_space<semaphore_mem>>) src(%dma_wait3A_21 : memref<1000000x32xf32, #tpu.memory_space<hbm>>) dst(%dma_wait3A_16 : memref<320x32xf32, #tpu.memory_space<vmem>>)
    %dma_wait3A_22 = arith.constant 320 : i32
    %dma_wait3A_23 = arith.constant 0 : i32
    %dma_wait3A_24 = tpu.memref_slice %arg8[%dma_wait3A_22, %dma_wait3A_23] : memref<1280x32xf32, #tpu.memory_space<vmem>> -> memref<320x32xf32, #tpu.memory_space<vmem>>
    %dma_wait3A_25 = arith.constant 320 : i32
    %dma_wait3A_26 = tpu.memref_slice %arg6[%dma_wait3A_25] : memref<1280xi32, #tpu.memory_space<vmem>> -> memref<320xi32, #tpu.memory_space<vmem>>
    %dma_wait3A_27 = arith.constant 0 : i32
    %dma_wait3A_28 = arith.constant 0 : i32
    %dma_wait3A_29 = tpu.memref_slice %arg2[%dma_wait3A_27, %dma_wait3A_28] : memref<1000000x32xf32, #tpu.memory_space<hbm>> -> memref<1000000x32xf32, #tpu.memory_space<hbm>>
    tpu.wait_indirect_dma semaphore(%arg16 : memref<!tpu.dma_semaphore, #tpu.memory_space<semaphore_mem>>) src(%dma_wait3A_29 : memref<1000000x32xf32, #tpu.memory_space<hbm>>) dst(%dma_wait3A_24 : memref<320x32xf32, #tpu.memory_space<vmem>>)
    %dma_wait3A_30 = arith.constant 640 : i32
    %dma_wait3A_31 = arith.constant 0 : i32
    %dma_wait3A_32 = tpu.memref_slice %arg8[%dma_wait3A_30, %dma_wait3A_31] : memref<1280x32xf32, #tpu.memory_space<vmem>> -> memref<320x32xf32, #tpu.memory_space<vmem>>
    %dma_wait3A_33 = arith.constant 640 : i32
    %dma_wait3A_34 = tpu.memref_slice %arg6[%dma_wait3A_33] : memref<1280xi32, #tpu.memory_space<vmem>> -> memref<320xi32, #tpu.memory_space<vmem>>
    %dma_wait3A_35 = arith.constant 0 : i32
    %dma_wait3A_36 = arith.constant 0 : i32
    %dma_wait3A_37 = tpu.memref_slice %arg2[%dma_wait3A_35, %dma_wait3A_36] : memref<1000000x32xf32, #tpu.memory_space<hbm>> -> memref<1000000x32xf32, #tpu.memory_space<hbm>>
    tpu.wait_indirect_dma semaphore(%arg17 : memref<!tpu.dma_semaphore, #tpu.memory_space<semaphore_mem>>) src(%dma_wait3A_37 : memref<1000000x32xf32, #tpu.memory_space<hbm>>) dst(%dma_wait3A_32 : memref<320x32xf32, #tpu.memory_space<vmem>>)
    %dma_wait3A_38 = arith.constant 960 : i32
    %dma_wait3A_39 = arith.constant 0 : i32
    %dma_wait3A_40 = tpu.memref_slice %arg8[%dma_wait3A_38, %dma_wait3A_39] : memref<1280x32xf32, #tpu.memory_space<vmem>> -> memref<320x32xf32, #tpu.memory_space<vmem>>
    %dma_wait3A_41 = arith.constant 960 : i32
    %dma_wait3A_42 = tpu.memref_slice %arg6[%dma_wait3A_41] : memref<1280xi32, #tpu.memory_space<vmem>> -> memref<320xi32, #tpu.memory_space<vmem>>
    %dma_wait3A_43 = arith.constant 0 : i32
    %dma_wait3A_44 = arith.constant 0 : i32
    %dma_wait3A_45 = tpu.memref_slice %arg2[%dma_wait3A_43, %dma_wait3A_44] : memref<1000000x32xf32, #tpu.memory_space<hbm>> -> memref<1000000x32xf32, #tpu.memory_space<hbm>>
    tpu.wait_indirect_dma semaphore(%arg18 : memref<!tpu.dma_semaphore, #tpu.memory_space<semaphore_mem>>) src(%dma_wait3A_45 : memref<1000000x32xf32, #tpu.memory_space<hbm>>) dst(%dma_wait3A_40 : memref<320x32xf32, #tpu.memory_space<vmem>>)
    %add3A_46 = arith.constant 24320 : i32
    %add3A_47 = arith.addi %mul3A_2, %add3A_46 : i32
    %dma_start3A_48 = arith.constant 0 : i32
    %dma_start3A_49 = tpu.memref_slice %arg4[%add3A_47, %dma_start3A_48] : memref<819200x32xf32, #tpu.memory_space<hbm>> -> memref<1280x32xf32, #tpu.memory_space<hbm>>
    %dma_start3A_50 = arith.constant 0 : i32
    %dma_start3A_51 = tpu.memref_slice %arg4[%add3A_47, %dma_start3A_50] : memref<819200x32xf32, #tpu.memory_space<hbm>> -> memref<1280x32xf32, #tpu.memory_space<hbm>>
    tpu.enqueue_dma source(%arg8 : memref<1280x32xf32, #tpu.memory_space<vmem>>) target(%dma_start3A_51 : memref<1280x32xf32, #tpu.memory_space<hbm>>) target_semaphore(%arg20 : memref<!tpu.dma_semaphore, #tpu.memory_space<semaphore_mem>>)
    %dma_wait3A_52 = arith.constant 0 : i32
    %dma_wait3A_53 = tpu.memref_slice %arg4[%mul3A_2, %dma_wait3A_52] : memref<819200x32xf32, #tpu.memory_space<hbm>> -> memref<1280x32xf32, #tpu.memory_space<hbm>>
    %dma_wait3A_54 = arith.constant 0 : i32
    %dma_wait3A_55 = tpu.memref_slice %arg4[%mul3A_2, %dma_wait3A_54] : memref<819200x32xf32, #tpu.memory_space<hbm>> -> memref<1280x32xf32, #tpu.memory_space<hbm>>
    tpu.wait_dma2 semaphore(%arg19 : memref<!tpu.dma_semaphore, #tpu.memory_space<semaphore_mem>>) src(%arg7 : memref<1280x32xf32, #tpu.memory_space<vmem>>) dst(%dma_wait3A_55 : memref<1280x32xf32, #tpu.memory_space<hbm>>)
    %dma_wait3A_56 = arith.constant 0 : i32
    %dma_wait3A_57 = tpu.memref_slice %arg4[%mul3A_2, %dma_wait3A_56] : memref<819200x32xf32, #tpu.memory_space<hbm>> -> memref<1280x32xf32, #tpu.memory_space<hbm>>
    %dma_wait3A_58 = arith.constant 0 : i32
    %dma_wait3A_59 = tpu.memref_slice %arg4[%mul3A_2, %dma_wait3A_58] : memref<819200x32xf32, #tpu.memory_space<hbm>> -> memref<1280x32xf32, #tpu.memory_space<hbm>>
    tpu.wait_dma2 semaphore(%arg20 : memref<!tpu.dma_semaphore, #tpu.memory_space<semaphore_mem>>) src(%arg8 : memref<1280x32xf32, #tpu.memory_space<vmem>>) dst(%dma_wait3A_59 : memref<1280x32xf32, #tpu.memory_space<hbm>>)
    return
  }
}

</mosaic_0001>

<sc_bundles>
// kernel: kernel.3.cloned.1.call-start
scs
__scs_entry_jumppad:
0x0: {  	(pc) =	sbr.rel $0x88, $3  }
0x1: {  	(tag) =	ssettag $0x0;
	lr =	simm.s32 $0x1  }
0x2: {  	[smem:$0x3F9F] =	sst lr;
	_ =	strace $0xD0000000  }
0x3: {  	_ = 	snop  }
0x4: {  	_ = 	snop  }
0x5: {  	_ = 	snop  }
0x6: {  	_ = 	snop  }
0x7: {  	_ = 	snop  }
__scs_overlays_trampoline_lowered:
0x8: {  	[smem:$0x3FAE] =	sst s0  }
0x9: {  	[smem:$0x3FAF] =	sst s1  }
0xa: {  	[smem:$0x3FB0] =	sst s2  }
0xb: {  	[smem:$0x3FB1] =	sst s3  }
0xc: {  	[smem:$0x3FB2] =	sst s4  }
0xd: {  	[smem:$0x3FB3] =	sst s5  }
0xe: {  	[smem:$0x3FB4] =	sst s6  }
0xf: {  	[smem:$0x3FB5] =	sst s7  }
0x10: {  	[smem:$0x3FB6] =	sst s8  }
0x11: {  	[smem:$0x3FB7] =	sst s9;
	s0 =	simm.s32 @!p0 $0x0  }
0x12: {  	s1 =	sld [smem:$0x3F9D];
	s0 =	simm.s32 @p0 $0x1  }
0x13: {  	[smem:$0x3FB8] =	sst s0;
	s0 =	simm.s32 @!p1 $0x0  }
0x14: {  	s2 =	sld [smem:$0x3F9C];
	s0 =	simm.s32 @p1 $0x1  }
0x15: {  	[smem:$0x3FB9] =	sst s0;
	s0 =	simm.s32 @!p2 $0x0  }
0x16: {  	s3 =	sld [smem:$0x3FDB];
	s0 =	simm.s32 @p2 $0x1  }
0x17: {  	s4 =	simm.s32 $0x1BF5;
	[smem:$0x3FBB] =	sst s0  }
0x18: {  	s0 =	sld [smem:$0x3F9E];
	_ =	swait.ge [sflag:s4], $0x0  }
0x19: {  	s7 =	sld [smem:$0x3F9F]  }
0x1a: {  	s8 =	sadd.s32 $0xFFFFE003, lr  }
0x1b: {  	s9 =	sadd.s32 $0xFFFFFEF7, lr;
	s5 =	simm.s32 $0xFFFFFFFF;
	p2 =	slt.u32 s8, $0xFFFFF086  }
0x1c: {  	p1 =	slt.u32 s9, $0xF7A;
	s5 =	simm.s32 @!p2 $0x0  }
0x1d: {  	s5 =	simm.s32 @p1 $0x1;
	p0 =	seq.s32 s7, s2  }
0x1e: {  	s7 =	smul.u32 @!p0 $0xF7A, s2;
	p2 =	seq.s32 @!p0 s5, $0x0  }
0x1f: {  	s9 =	smul.u32 $0xF7A, s1;
	s8 =	simm.s32 @!p0 $0x1BF5;
	p2 =	por !p2, p0  }
0x20: {  	[sflag:s8] =	ssyncset.s32 @!p0 $0xFFFFF086;
	s6 =	sadd.s32 @!p0 s3, s7;
	s7 =	simm.s32 @!p0 $0x108  }
0x21: {  	s3 =	sadd.s32 s3, s9;
	s6 =	sadd.s32 @!p0 $0x88, s6;
	s7 =	simm.s32 @p2 $0x1082  }
0x22: {  	[simem:s7], [sflag:s8] =	dma.local @!p0 [hbm:s6], $0xF7A  }
0x23: {  	s9 =	sor.u32 $0xD0000000, s2;
	s6 =	simm.s32 $0x108;
	_ =	swait.ge @!p0 [sflag:s8], $0x0  }
0x24: {  	s3 =	sadd.s32 $0x88, s3;
	s6 =	simm.s32 @!p1 $0x1082;
	[sflag:s4] =	ssyncset.s32 $0xFFFFF086  }
0x25: {  	[simem:s6], [sflag:s4] =	dma.local [hbm:s3], $0xF7A  }
0x26: {  	[smem:$0x3F9F] =	sst s1;
	(tag) =	ssettag s2;
	_ =	strace s9  }
0x27: {  	s1 =	sld [smem:$0x3FAF]  }
0x28: {  	s2 =	sld [smem:$0x3FB0]  }
0x29: {  	s4 =	sld [smem:$0x3FB2]  }
0x2a: {  	p0 =	seq.s32 s5, $0x0;
	s5 =	sld [smem:$0x3FB3]  }
0x2b: {  	s6 =	sld [smem:$0x3FB4]  }
0x2c: {  	s7 =	sld [smem:$0x3FB5]  }
0x2d: {  	s3 =	simm.s32 $0x108;
	s8 =	sld [smem:$0x3FB6]  }
0x2e: {  	s3 =	simm.s32 @!p0 $0x1082;
	s9 =	sld [smem:$0x3FB7]  }
0x2f: {  	lr =	sadd.s32 s0, s3;
	s0 =	sld [smem:$0x3FAE]  }
0x30: {  	s3 =	sld [smem:$0x3FB1]  }
0x31: {  	[smem:$0x3FBA] =	sst s10  }
0x32: {  	s10 =	sld [smem:$0x3FB8];
	_ =	sdelay $0x3  }
0x33: {  	p0 =	seq.s32 s10, $0x1;
	s10 =	sld [smem:$0x3FBA];
	_ =	sdelay $0x3  }
0x34: {  	[smem:$0x3FBA] =	sst s10  }
0x35: {  	s10 =	sld [smem:$0x3FB9];
	_ =	sdelay $0x3  }
0x36: {  	p1 =	seq.s32 s10, $0x1;
	s10 =	sld [smem:$0x3FBA];
	_ =	sdelay $0x3  }
0x37: {  	[smem:$0x3FBA] =	sst s10  }
0x38: {  	s10 =	sld [smem:$0x3FBB]  }
0x39: {  	_ = 	snop;
	(pc) =	sbr.ind lr, $3  }
0x3a: {  	_ = 	snop  }
0x3b: {  	_ = 	snop  }
0x3c: {  	p2 =	seq.s32 s10, $0x1;
	s10 =	sld [smem:$0x3FBA]  }
0x3d: {  	_ =	shalt  }
0x3e: {  	_ =	shalt  }
0x3f: {  	_ =	shalt  }
0x40: {  	_ =	shalt  }
0x41: {  	_ =	shalt  }
0x42: {  	_ =	shalt  }
0x43: {  	_ =	shalt  }
0x44: {  	_ =	shalt  }
0x45: {  	_ =	shalt  }
0x46: {  	_ =	shalt  }
0x47: {  	_ =	shalt  }
0x48: {  	_ =	shalt  }
0x49: {  	_ =	shalt  }
0x4a: {  	_ =	shalt  }
0x4b: {  	_ =	shalt  }
0x4c: {  	_ =	shalt  }
0x4d: {  	_ =	shalt  }
0x4e: {  	_ =	shalt  }
0x4f: {  	_ =	shalt  }
0x50: {  	_ =	shalt  }
0x51: {  	_ =	shalt  }
0x52: {  	_ =	shalt  }
0x53: {  	_ =	shalt  }
0x54: {  	_ =	shalt  }
0x55: {  	_ =	shalt  }
0x56: {  	_ =	shalt  }
0x57: {  	_ =	shalt  }
0x58: {  	_ =	shalt  }
0x59: {  	_ =	shalt  }
0x5a: {  	_ =	shalt  }
0x5b: {  	_ =	shalt  }
0x5c: {  	_ =	shalt  }
0x5d: {  	_ =	shalt  }
0x5e: {  	_ =	shalt  }
0x5f: {  	_ =	shalt  }
0x60: {  	_ =	shalt  }
0x61: {  	_ =	shalt  }
0x62: {  	_ =	shalt  }
0x63: {  	_ =	shalt  }
0x64: {  	_ =	shalt  }
0x65: {  	_ =	shalt  }
0x66: {  	_ =	shalt  }
0x67: {  	_ =	shalt  }
0x68: {  	_ =	shalt  }
0x69: {  	_ =	shalt  }
0x6a: {  	_ =	shalt  }
0x6b: {  	_ =	shalt  }
0x6c: {  	_ =	shalt  }
0x6d: {  	_ =	shalt  }
0x6e: {  	_ =	shalt  }
0x6f: {  	_ =	shalt  }
0x70: {  	_ =	shalt  }
0x71: {  	_ =	shalt  }
0x72: {  	_ =	shalt  }
0x73: {  	_ =	shalt  }
0x74: {  	_ =	shalt  }
0x75: {  	_ =	shalt  }
0x76: {  	_ =	shalt  }
0x77: {  	_ =	shalt  }
0x78: {  	_ =	shalt  }
0x79: {  	_ =	shalt  }
0x7a: {  	_ =	shalt  }
0x7b: {  	_ =	shalt  }
0x7c: {  	_ =	shalt  }
0x7d: {  	_ =	shalt  }
0x7e: {  	_ =	shalt  }
0x7f: {  	_ =	shalt  }
0x80: {  	_ =	shalt  }
0x81: {  	_ =	shalt  }
0x82: {  	_ =	shalt  }
0x83: {  	_ =	shalt  }
0x84: {  	_ =	shalt  }
0x85: {  	_ =	shalt  }
0x86: {  	_ =	shalt  }
0x87: {  	_ =	shalt  }
.Lfunc_end0:
.L_simem_size_0:
called_computation.1_lowered:
.L_overlay_start_0:
0x88: {  	s2 =	sld [smem:$0x3FD9]  }
0x89: {  	s3 =	sld [smem:$0x3FFE];
	_ =	sdelay $0x1  }
0x8a: {  	s1 =	srdreg.scid  }
0x8b: {  	s0 =	sand.u32 $0x1, s1  }
0x8c: {  	s17 =	sshll.u32 s0, $0xA;
	s2 =	sadd.s32 s3, s2  }
0x8d: {  	s2 =	sadd.s32 s2, s17  }
0x8e: {  	[smem:$0x3FC6] =	sst s2  }
0x8f: {  	_ = 	snop  }
0x90: {  	s2 =	sld [smem:$0x3FD0];
	(tm) =	ssettm $0x1  }
0x91: {  	s18 =	sld [smem:$0x3FFB];
	_ =	sdelay $0x3  }
0x92: {  	_ =	strace s18  }
0x93: {  	s3 =	sld [smem:$0x3FFC];
	_ =	sdelay $0x3  }
0x94: {  	_ =	strace s3  }
0x95: {  	s3 =	sld [smem:$0x3FFD];
	_ =	sdelay $0x3  }
0x96: {  	_ =	strace s3  }
0x97: {  	_ =	strace $0x8FFFFFFF  }
0x98: {  	s19 =	sld [smem:$0x3FDB];
	_ =	sdelay $0x1  }
0x99: {  	s4 =	simm.s32 $_scs_section_size  }
0x9a: {  	s5 =	simm.s32 $_size__tile_overlayer_lowered;
	s6 =	simm.s32 $_tile_overlayer_lowered  }
0x9b: {  	s22 =	simm.s32 $0x1BFF;
	s21 =	sshll.u32 s6, $0x1;
	s3 =	sadd.s32 s4, s19  }
0x9c: {  	s7 =	simm.s32 $0x0;
	s20 =	sshll.u32 s5, $0x1;
	s5 =	sadd.s32 s21, s3  }
0x9d: {  	[timem:s7], [sflag:s22] =	dma.local [hbm:s5], s20  }
0x9e: {  	_ =	swait.ge [sflag:s22], s20  }
0x9f: {  	s4 =	ssub.s32 $0x0, s20;
	[sflag:s22] =	ssyncset.done $0x0  }
0xa0: {  	[sflag:s22] =	ssyncadd.s32 s4;
	_ =	sdelay $0x1  }
0xa1: {  	s23 =	simm.s32 $0x1B8B  }
0xa2: {  	_ =	swait.ge [sflag:s23], $0x1  }
0xa3: {  	[sflag:s23] =	ssyncset.done $0x0  }
0xa4: {  	s25 =	simm.s32 $0x1B8E;
	s24 =	sld [smem:$0x3FFE];
	[sflag:s23] =	ssyncadd.s32 $0xFFFFFFFF  }
0xa5: {  	s26 =	simm.s32 $execute0_lowered;
	[smem:$0x3FD2] =	sst s25  }
0xa6: {  	s5 =	sshll.u32 s26, $0x1;
	_ =	strace $0x80000046;
	[dreg:$0x1] =	wrdreg $0xFFFFFFFF  }
0xa7: {  	s28 =	simm.s32 $_size_execute0_lowered;
	s3 =	sadd.s32 s3, s5;
	[dreg:$0x0] =	wrdreg $0x0  }
0xa8: {  	s5 =	sshll.u32 s28, $0x1;
	[dreg:$0x2] =	wrdreg s3  }
0xa9: {  	[dreg:$0x3] =	wrdreg s5  }
0xaa: {  	[dreg:$0x4] =	wrdreg $0xC0  }
0xab: {  	_ =	task [dreg:s7], $0x5FFFF  }
0xac: {  	[dreg:$0x1] =	wrdreg $0xFFFFFFFF  }
0xad: {  	[dreg:$0x0] =	wrdreg $0x60  }
0xae: {  	[dreg:$0x2] =	wrdreg s24  }
0xaf: {  	[dreg:$0x3] =	wrdreg s2  }
0xb0: {  	[dreg:$0x4] =	wrdreg $0x9  }
0xb1: {  	_ =	task.clear_ibuf [dreg:s7], $0x5FFFF;
	_ =	strace $0x90000046  }
0xb2: {  	s29 =	simm.s32 $0x9;
	_ =	strace $0x80000048  }
0xb3: {  	_ =	swait.ge [sflag:s29], $0x1  }
0xb4: {  	[sflag:s29] =	ssyncadd.s32 $0xFFFFFFFF  }
0xb5: {  	_ =	strace $0x90000048  }
0xb6: {  	_ =	sfence  }
0xb7: {  	s30 =	sld [smem:$0x0];
	_ =	sdelay $0x2  }
0xb8: {  	s31 =	sshll.u32 s1, $0xD;
	s1 =	sshrl.u32 s1, $0x2  }
0xb9: {  	s3 =	sand.u32 $0x4000, s31;
	s1 =	sadd.s32 s1, s30  }
0xba: {  	s0 =	sor.u32 s3, s0;
	s1 =	sshll.u32 s1, $0x11  }
0xbb: {  	s0 =	sor.u32 s1, s0  }
0xbc: {  	s0 =	sadd.s32 $0x8F2B, s0  }
0xbd: {  	[sflag:s0] =	ssyncadd.remote.s32 $0x1  }
0xbe: {  	_ =	sfence.sel $0xFFFF  }
0xbf: {  	[dreg:$0x0] =	wrdreg $0xFFFFFFFF;
	(pc) =	sbr.abs _section_cstart, $3  }
0xc0: {  	[dreg:$0x1] =	wrdreg $0xFFFFFFFF  }
0xc1: {  	_ =	task.clear_ibuf [dreg:s7], $0x2FFFF;
	_ =	strace $0x9FFFFFFF  }
0xc2: {  	(tm) =	ssettm $0x7FFFFFFF  }
0xc3: {  	_ =	shalt  }
tec
execute0_lowered:
.L_overlay_start_1:
0x0: {  	(tag) =	ssettag $0x1  }
0x1: {  	s0 =	rddreg [dreg:$0x0]  }
0x2: {  	s2 =	rddreg [dreg:$0x1]  }
0x3: {  	s1 =	srdreg.scid;
	s8 =	stileid.u32;
	s3 =	simm.s32 $0x0  }
0x4: {  	s15 =	simm.s32 $0x1;
	s16 =	simm.s32 $0x140;
	s17 =	simm.s32 $0xA00  }
0x5: {  	s20 =	simm.s32 $0x5A00;
	s21 =	simm.s32 $0x3C0;
	s28 =	simm.s32 $0x2  }
0x6: {  	s29 =	simm.s32 $0xAA00;
	s30 =	simm.s32 $0x640;
	s31 =	simm.s32 $0xD200  }
0x7: {  	s11 =	simm.s32 $0xC;
	s1 =	sand.u32 $0x1, s1;
	s4 =	sshll.u32 s8, $0x1  }
0x8: {  	[smem:$0x7FF] =	sst s3;
	s5 =	sadd.s32 $0xF42E00, s0;
	s8 =	smul.u32 $0xC800, s8  }
0x9: {  	s6 =	sor.u32 s1, s4;
	s22 =	ssub.s32 $0x2, s1;
	s1 =	smul.u32 $0x6400, s1  }
0xa: {  	s12 =	simm.s32 $0x0;
	_ =	strace $0x80000047;
	s4 =	smul.u32 $0x6400, s6  }
0xb: {  	s7 =	smul.u32 $0xC8000, s6;
	s6 =	sadd.s32 $0xA00, s0;
	s9 =	sshrl.u32 s22, $0x1  }
0xc: {  	s0 =	ssub.s32 s22, s9;
	s1 =	sadd.s32 s1, s8;
	s22 =	simm.s32 $0x8200  }
0xd: {  	s8 =	simm.s32 $0x8C0;
	s10 =	sshrl.u32 s4, $0x3;
	s7 =	sshrl.u32 s7, $0x3  }
0xe: {  	s24 =	sadd.s32 $0x500, s1;
	s0 =	smax.u32 s0, $0x1;
	s1 =	sshll.u32 s1, $0x2  }
0xf: {  	s23 =	sadd.s32 s6, s10;
	s7 =	sadd.s32 s2, s7;
	[dreg:$0x6] =	wrdreg s0  }
0x10: {  	s25 =	sshrl.u32 s24, $0x3;
	s26 =	sadd.s32 $0x1FFFEC00, s1;
	s24 =	simm.s32 $0x4  }
0x11: {  	s1 =	simm.s32 $0xFA00;
	[dreg:$0x3] =	wrdreg s23;
	s9 =	sadd.s32 $0xA0, s23  }
0x12: {  	s7 =	sadd.s32 $0x17C00, s7;
	s0 =	sadd.s32 s25, s6;
	[dreg:$0x8] =	wrdreg s26  }
0x13: {  	s23 =	simm.s32 $0x3;
	s25 =	simm.s32 $0x5;
	[dreg:$0x4] =	wrdreg s9  }
0x14: {  	s26 =	simm.s32 $0x6;
	s9 =	sadd.s32 $0xA00, s4;
	[dreg:$0x5] =	wrdreg s7  }
0x15: {  	[dreg:$0x7] =	wrdreg s0;
	s0 =	simm.s32 $0x780;
	s7 =	simm.s32 $0x12200  }
.LBB2_1:
0x16: {  	[dreg:$0x9] =	wrdreg s12  }
0x17: {  	s10 =	rddreg [dreg:$0x3]  }
0x18: {  	s18 =	rddreg [dreg:$0x4]  }
0x19: {  	s13 =	rddreg [dreg:$0x8]  }
0x1a: {  	[tilespmem:s3], [sflag:$0x1] =	stream.linear.gather [hbm4b:s10+s3], $0x500, $0x38;
	[tilespmem:$0x14A00] =	vst v63  }
0x1b: {  	s19 =	simm.s32 $0x500;
	s12 =	simm.s32 $0x0;
	s10 =	rddreg [dreg:$0x7]  }
0x1c: {  	[tilespmem:s19], [sflag:$0x2] =	stream.linear.gather [hbm4b:s18+s3], $0x500, $0x38;
	[tilespmem:$0x14A00] =	vst v63  }
.LBB2_2:
0x1d: {  	p0 =	seq.s32 s12, $0x0  }
0x1e: {  	s18 =	simm.s32 @!p0 $0x7  }
0x1f: {  	_ =	swait.ge @!p0 [sflag:s18], $0x2800  }
0x20: {  	[sflag:s18] =	ssyncset.done @!p0 $0x0  }
0x21: {  	[sflag:s18] =	ssyncadd.s32 @!p0 $0xFFFFD800;
	s18 =	simm.s32 @!p0 $0x8  }
0x22: {  	_ =	swait.ge @!p0 [sflag:s18], $0x2800  }
0x23: {  	[sflag:s18] =	ssyncset.done @!p0 $0x0  }
0x24: {  	[sflag:s18] =	ssyncadd.s32 @!p0 $0xFFFFD800;
	s18 =	simm.s32 @!p0 $0x9  }
0x25: {  	_ =	swait.ge @!p0 [sflag:s18], $0x2800  }
0x26: {  	[sflag:s18] =	ssyncset.done @!p0 $0x0  }
0x27: {  	[sflag:s18] =	ssyncadd.s32 @!p0 $0xFFFFD800;
	s18 =	simm.s32 @!p0 $0xA  }
0x28: {  	_ =	swait.ge @!p0 [sflag:s18], $0x2800  }
0x29: {  	[sflag:s18] =	ssyncset.done @!p0 $0x0  }
0x2a: {  	[sflag:s18] =	ssyncadd.s32 @!p0 $0xFFFFD800;
	s18 =	sand.u32 @!p0 $0x1FFFFC00, s13  }
0x2b: {  	s14 =	simm.s32 @!p0 $0x0;
	s19 =	simm.s32 @!p0 $0xAA00;
	s18 =	sadd.s32 @!p0 s2, s18  }
0x2c: {  	[hbm4b:s18+s14] =	stream.linear.scatter @!p0 [tilespmem:s19], [sflag:$0xC], $0xA000, $0x38;
	[tilespmem:$0x14A00] =	vst v63  }
0x2d: {  	s18 =	simm.s32 @!p0 $0x500  }
0x2e: {  	[tilespmem:s18], [sflag:$0x2] =	stream.linear.gather @!p0 [hbm4b:s10+s14], $0x500, $0x38;
	[tilespmem:$0x14A00] =	vst v63  }
0x2f: {  	s14 =	simm.s32 @!p0 $0xB  }
0x30: {  	_ =	swait.ge @!p0 [sflag:s14], $0xA000  }
0x31: {  	[sflag:s14] =	ssyncset.done @!p0 $0x0  }
0x32: {  	[sflag:s14] =	ssyncadd.s32 @!p0 $0xFFFF6000  }
0x33: {  	_ =	swait.ge [sflag:s15], $0x500  }
0x34: {  	[sflag:s15] =	ssyncset.done $0x0  }
0x35: {  	[sflag:s15] =	ssyncadd.s32 $0xFFFFFB00  }
0x36: {  	[tilespmem:s17], [sflag:$0x3] =	stream.indirect.gather [hbm4b:s5+s16], $0x20, s3, s16, $0xb8;
	[tilespmem:$0x14A00] =	vst v63  }
0x37: {  	s19 =	simm.s32 $0x3200  }
0x38: {  	[tilespmem:s19], [sflag:$0x4] =	stream.indirect.gather [hbm4b:s5+s16], $0x20, s16, s16, $0xb8;
	[tilespmem:$0x14A00] =	vst v63  }
0x39: {  	s18 =	simm.s32 $0x280  }
0x3a: {  	[tilespmem:s20], [sflag:$0x5] =	stream.indirect.gather [hbm4b:s5+s16], $0x20, s18, s16, $0xb8;
	[tilespmem:$0x14A00] =	vst v63  }
0x3b: {  	_ = 	snop  }
0x3c: {  	[tilespmem:s22], [sflag:$0x6] =	stream.indirect.gather [hbm4b:s5+s16], $0x20, s21, s16, $0xb8;
	[tilespmem:$0x14A00] =	vst v63  }
0x3d: {  	_ =	swait.ge [sflag:s23], $0x2800  }
0x3e: {  	[sflag:s23] =	ssyncset.done $0x0  }
0x3f: {  	[sflag:s23] =	ssyncadd.s32 $0xFFFFD800  }
0x40: {  	_ =	swait.ge [sflag:s24], $0x2800  }
0x41: {  	[sflag:s24] =	ssyncset.done $0x0  }
0x42: {  	[sflag:s24] =	ssyncadd.s32 $0xFFFFD800  }
0x43: {  	_ =	swait.ge [sflag:s25], $0x2800  }
0x44: {  	s14 =	smov.u32 s12;
	[sflag:s25] =	ssyncset.done $0x0  }
0x45: {  	s14 =	simm.s32 @p0 $0x0;
	[sflag:s25] =	ssyncadd.s32 $0xFFFFD800  }
0x46: {  	p0 =	seq.s32 s12, $0x5A00;
	s19 =	sadd.s32 s4, s14;
	_ =	swait.ge [sflag:s26], $0x2800  }
0x47: {  	s14 =	sadd.s32 @!p0 s14, s9;
	s18 =	sshll.u32 s19, $0x2;
	[sflag:s26] =	ssyncset.done $0x0  }
0x48: {  	s14 =	sshrl.u32 @!p0 s14, $0x3;
	s18 =	sadd.s32 s2, s18;
	[sflag:s26] =	ssyncadd.s32 $0xFFFFD800  }
0x49: {  	[hbm4b:s18+s3] =	stream.linear.scatter [tilespmem:s17], [sflag:$0xB], $0xA000, $0x38;
	[tilespmem:$0x14A00] =	vst v63  }
0x4a: {  	p1 =	seq.s32 @!p0 s12, $0x0;
	s14 =	sadd.s32 @!p0 s6, s14;
	s18 =	simm.s32 @!p0 $0x0  }
0x4b: {  	[tilespmem:s18], [sflag:$0x1] =	stream.linear.gather @!p0 [hbm4b:s14+s18], $0x500, $0x38;
	[tilespmem:$0x14A00] =	vst v63  }
0x4c: {  	p0 =	por p0, !p1  }
0x4d: {  	_ =	swait.ge @p0 [sflag:s11], $0xA000  }
0x4e: {  	[sflag:s11] =	ssyncset.done @p0 $0x0  }
0x4f: {  	[sflag:s11] =	ssyncadd.s32 @p0 $0xFFFF6000  }
0x50: {  	_ =	swait.ge [sflag:s28], $0x500  }
0x51: {  	[sflag:s28] =	ssyncset.done $0x0  }
0x52: {  	s12 =	sadd.s32 $0xA00, s12;
	s19 =	simm.s32 $0x500;
	[sflag:s28] =	ssyncadd.s32 $0xFFFFFB00  }
0x53: {  	[tilespmem:s29], [sflag:$0x7] =	stream.indirect.gather [hbm4b:s5+s16], $0x20, s19, s16, $0xb8;
	[tilespmem:$0x14A00] =	vst v63  }
0x54: {  	p0 =	sne.s32 s12, $0x6400  }
0x55: {  	[tilespmem:s31], [sflag:$0x8] =	stream.indirect.gather [hbm4b:s5+s16], $0x20, s30, s16, $0xb8;
	[tilespmem:$0x14A00] =	vst v63  }
.Ltmp0:
0x56: {  	_ = 	snop;
	(pc) =	sbr.rel @p0 .LBB2_2-.Ltmp0, $4  }
0x57: {  	_ = 	snop  }
0x58: {  	[tilespmem:s1], [sflag:$0x9] =	stream.indirect.gather [hbm4b:s5+s16], $0x20, s0, s16, $0xb8;
	[tilespmem:$0x14A00] =	vst v63  }
0x59: {  	s13 =	sadd.s32 $0x2800, s13;
	s10 =	sadd.s32 $0x140, s10  }
0x5a: {  	[tilespmem:s7], [sflag:$0xA] =	stream.indirect.gather [hbm4b:s5+s16], $0x20, s8, s16, $0xb8;
	[tilespmem:$0x14A00] =	vst v63  }
0x5b: {  	s10 =	simm.s32 $0x7  }
0x5c: {  	_ =	swait.ge [sflag:s10], $0x2800  }
0x5d: {  	[sflag:s10] =	ssyncset.done $0x0  }
0x5e: {  	s19 =	simm.s32 $0x8;
	[sflag:s10] =	ssyncadd.s32 $0xFFFFD800  }
0x5f: {  	_ =	swait.ge [sflag:s19], $0x2800  }
0x60: {  	[sflag:s19] =	ssyncset.done $0x0  }
0x61: {  	s12 =	simm.s32 $0x9;
	[sflag:s19] =	ssyncadd.s32 $0xFFFFD800  }
0x62: {  	_ =	swait.ge [sflag:s12], $0x2800  }
0x63: {  	[sflag:s12] =	ssyncset.done $0x0  }
0x64: {  	s13 =	simm.s32 $0xA;
	[sflag:s12] =	ssyncadd.s32 $0xFFFFD800  }
0x65: {  	_ =	swait.ge [sflag:s13], $0x2800  }
0x66: {  	[sflag:s13] =	ssyncset.done $0x0  }
0x67: {  	s18 =	simm.s32 $0xB;
	s14 =	rddreg [dreg:$0x5];
	[sflag:s13] =	ssyncadd.s32 $0xFFFFD800  }
0x68: {  	[hbm4b:s14+s3] =	stream.linear.scatter [tilespmem:s29], [sflag:$0xC], $0xA000, $0x38;
	[tilespmem:$0x14A00] =	vst v63  }
0x69: {  	_ =	swait.ge [sflag:s18], $0xA000  }
0x6a: {  	[sflag:s18] =	ssyncset.done $0x0  }
0x6b: {  	[sflag:s18] =	ssyncadd.s32 $0xFFFF6000  }
0x6c: {  	_ =	swait.ge [sflag:s11], $0xA000  }
0x6d: {  	s12 =	rddreg [dreg:$0x9]  }
0x6e: {  	s19 =	rddreg [dreg:$0x6];
	s12 =	sadd.s32 $0x1, s12  }
0x6f: {  	p0 =	sne.s32 s12, s19  }
.Ltmp1:
0x70: {  	_ = 	snop;
	(pc) =	sbr.rel @p0 .LBB2_1-.Ltmp1, $3  }
0x71: {  	_ =	sdelay $0x1  }
0x72: {  	[sflag:s11] =	ssyncset.done $0x0  }
0x73: {  	[sflag:s11] =	ssyncadd.s32 $0xFFFF6000  }
0x74: {  	_ =	sfence.sel $0x180000  }
0x75: {  	[bflag:$0x0] =	sbarrier.arrive $0xFFFF  }
0x76: {  	_ =	strace $0x90000047  }
0x77: {  	s0 =	stileid.u32;
	[bflag:$0x2] =	sbarrier.arrive $0xFFFF  }
0x78: {  	p0 =	sne.s32 s0, $0x0;
	s0 =	rddreg [dreg:$0x2]  }
0x79: {  	s0 =	sadd.s32 @!p0 $0x100000, s0  }
0x7a: {  	[sflag:s0] =	ssyncadd.tile.s32 @!p0 $0x1;
	_ =	shalt  }
.Lfunc_end2:
_tile_overlayer_lowered:
.L_overlay_start_2:
0x7b: {  	(tag) =	ssettag $0x2  }
0x7c: {  	s0 =	rddreg [dreg:$0x0];
	s2 =	stileid.u32  }
0x7d: {  	s1 =	rddreg [dreg:$0x1];
	p0 =	sne.s32 s2, $0x0  }
0x7e: {  	s3 =	rddreg [dreg:$0x2];
	[bflag:$0x3] =	sbarrier.arrive $0xFFFF;
	s2 =	simm.s32 @!p0 $0x1C0D  }
0x7f: {  	[timem:s3], [sflag:s2] =	dma.local @!p0 [hbm:s0], s1  }
0x80: {  	s0 =	simm.s32 @!p0 $0xD  }
0x81: {  	_ =	swait.ge @!p0 [sflag:s0], s1  }
0x82: {  	s1 =	ssub.s32 @!p0 $0x0, s1;
	[sflag:s0] =	ssyncset.done @!p0 $0x0  }
0x83: {  	[sflag:s0] =	ssyncadd.s32 @!p0 s1  }
0x84: {  	[bflag:$0x3] =	sbarrier.arrive $0xFFFF  }
0x85: {  	_ =	shalt  }

// kernel: sparse-core-data-format-call.cloned.1.call-start
scs
called_computation_lowered:
.L_overlay_start_0:
0x0: {  	s2 =	sld [smem:$0x3FD9]  }
0x1: {  	s3 =	sld [smem:$0x3FFE];
	_ =	sdelay $0x1  }
0x2: {  	s1 =	srdreg.scid  }
0x3: {  	s0 =	sand.u32 $0x1, s1  }
0x4: {  	s18 =	sshll.u32 s0, $0xA;
	s2 =	sadd.s32 s3, s2  }
0x5: {  	s2 =	sadd.s32 s2, s18  }
0x6: {  	[smem:$0x3FC6] =	sst s2  }
0x7: {  	_ = 	snop  }
0x8: {  	s2 =	sld [smem:$0x3FD0];
	(tm) =	ssettm $0x1  }
0x9: {  	s19 =	sld [smem:$0x3FFB];
	_ =	sdelay $0x3  }
0xa: {  	_ =	strace s19  }
0xb: {  	s3 =	sld [smem:$0x3FFC];
	_ =	sdelay $0x3  }
0xc: {  	_ =	strace s3  }
0xd: {  	s3 =	sld [smem:$0x3FFD];
	_ =	sdelay $0x3  }
0xe: {  	_ =	strace s3  }
0xf: {  	_ =	strace $0x8FFFFFFF  }
0x10: {  	s20 =	sld [smem:$0x3FDB];
	_ =	sdelay $0x1  }
0x11: {  	s4 =	simm.s32 $_scs_section_size  }
0x12: {  	s5 =	simm.s32 $_size__tile_overlayer_lowered;
	s6 =	simm.s32 $_tile_overlayer_lowered  }
0x13: {  	s23 =	simm.s32 $0x1BFF;
	s22 =	sshll.u32 s6, $0x1;
	s3 =	sadd.s32 s4, s20  }
0x14: {  	s7 =	simm.s32 $0x0;
	s21 =	sshll.u32 s5, $0x1;
	s5 =	sadd.s32 s22, s3  }
0x15: {  	[timem:s7], [sflag:s23] =	dma.local [hbm:s5], s21  }
0x16: {  	_ =	swait.ge [sflag:s23], s21  }
0x17: {  	s4 =	ssub.s32 $0x0, s21;
	[sflag:s23] =	ssyncset.done $0x0  }
0x18: {  	[sflag:s23] =	ssyncadd.s32 s4;
	_ =	sdelay $0x1  }
0x19: {  	s24 =	simm.s32 $0x1B8B  }
0x1a: {  	_ =	swait.ge [sflag:s24], $0x1  }
0x1b: {  	[sflag:s24] =	ssyncset.done $0x0  }
0x1c: {  	s26 =	simm.s32 $0x1B8E;
	s25 =	sld [smem:$0x3FFE];
	[sflag:s24] =	ssyncadd.s32 $0xFFFFFFFF  }
0x1d: {  	s27 =	simm.s32 $execute0_lowered;
	[smem:$0x3FD2] =	sst s26  }
0x1e: {  	s5 =	sshll.u32 s27, $0x1;
	_ =	strace $0x80000049;
	[dreg:$0x1] =	wrdreg $0xFFFFFFFF  }
0x1f: {  	s28 =	simm.s32 $_size_execute0_lowered;
	s3 =	sadd.s32 s3, s5;
	[dreg:$0x0] =	wrdreg $0x0  }
0x20: {  	s5 =	sshll.u32 s28, $0x1;
	[dreg:$0x2] =	wrdreg s3  }
0x21: {  	[dreg:$0x3] =	wrdreg s5  }
0x22: {  	[dreg:$0x4] =	wrdreg $0xC0  }
0x23: {  	_ =	task [dreg:s7], $0x5FFFF  }
0x24: {  	[dreg:$0x1] =	wrdreg $0xFFFFFFFF  }
0x25: {  	[dreg:$0x0] =	wrdreg $0x60  }
0x26: {  	[dreg:$0x2] =	wrdreg s25  }
0x27: {  	[dreg:$0x3] =	wrdreg s2  }
0x28: {  	[dreg:$0x4] =	wrdreg $0x9  }
0x29: {  	_ =	task.clear_ibuf [dreg:s7], $0x5FFFF;
	_ =	strace $0x90000049  }
0x2a: {  	s29 =	simm.s32 $0x9;
	_ =	strace $0x8000004B  }
0x2b: {  	_ =	swait.ge [sflag:s29], $0x1  }
0x2c: {  	[sflag:s29] =	ssyncadd.s32 $0xFFFFFFFF  }
0x2d: {  	_ =	strace $0x9000004B  }
0x2e: {  	_ =	sfence  }
0x2f: {  	s30 =	sld [smem:$0x0];
	_ =	sdelay $0x2  }
0x30: {  	s31 =	sshll.u32 s1, $0xD;
	s1 =	sshrl.u32 s1, $0x2  }
0x31: {  	s3 =	sand.u32 $0x4000, s31;
	s1 =	sadd.s32 s1, s30  }
0x32: {  	s0 =	sor.u32 s3, s0;
	s1 =	sshll.u32 s1, $0x11  }
0x33: {  	s0 =	sor.u32 s1, s0  }
0x34: {  	s0 =	sadd.s32 $0x8F2B, s0  }
0x35: {  	[sflag:s0] =	ssyncadd.remote.s32 $0x1  }
0x36: {  	_ =	sfence.sel $0xFFFF  }
0x37: {  	[dreg:$0x0] =	wrdreg $0xFFFFFFFF;
	(pc) =	sbr.abs _section_cstart, $3  }
0x38: {  	[dreg:$0x1] =	wrdreg $0xFFFFFFFF  }
0x39: {  	_ =	task.clear_ibuf [dreg:s7], $0x2FFFF;
	_ =	strace $0x9FFFFFFF  }
0x3a: {  	(tm) =	ssettm $0x7FFFFFFF  }
0x3b: {  	_ =	shalt  }
tec
execute0_lowered:
.L_overlay_start_1:
0x0: {  	(tag) =	ssettag $0x1  }
0x1: {  	s0 =	srdreg.scid  }
0x2: {  	s1 =	sshll.u32 s0, $0x4  }
0x3: {  	s0 =	stileid.u32;
	s1 =	sand.u32 $0x10, s1  }
0x4: {  	s1 =	sor.u32 s0, s1  }
0x5: {  	s6 =	rddreg [dreg:$0x0];
	s4 =	simm.s32 $0x1;
	s2 =	sshll.u32 s1, $0x7  }
0x6: {  	s7 =	simm.s32 $0x2;
	s12 =	simm.s32 $0x0;
	s1 =	ssub.s32 $0x1000, s2  }
0x7: {  	s8 =	simm.s32 $0x8000;
	s13 =	simm.s32 $0x0;
	s3 =	sand.u32 $0xF80, s1  }
0x8: {  	s9 =	simm.s32 $0x0;
	s5 =	sshrl.u32 s1, $0xC;
	p0 =	sne.s32 s3, $0x0  }
.Ltmp0:
0x9: {  	s1 =	rddreg [dreg:$0x2];
	s4 =	simm.s32 @!p0 $0x0;
	(pc) =	sbr.rel .LBB1_1-.Ltmp0, $4  }
0xa: {  	s11 =	simm.s32 $0x0;
	s3 =	rddreg [dreg:$0x1];
	s5 =	sadd.s32 s4, s5  }
0xb: {  	_ =	strace $0x8000004A;
	s4 =	simm.s32 $0x1;
	s5 =	smul.u32 $0xC8, s5  }
0xc: {  	s6 =	sadd.s32 $0xA00, s6;
	s10 =	smov.u32 s2;
	[sflag:s4] =	ssyncpa.u1 $0x0  }
0xd: {  	p0 =	por $0x0, $0x0;
	[sflag:s7] =	ssyncpa.u1 $0x0;
	s7 =	sor.u32 $0x1, s5  }
.LBB1_4:
0xe: {  	s16 =	sshll.u32 s13, $0x3;
	s17 =	sand.u32 $0x78, s13  }
0xf: {  	s30 =	sand.u32 $0x3E00, s13;
	s12 =	sshll.u32 s12, $0xE;
	s16 =	sand.u32 $0xC00, s16  }
0x10: {  	s31 =	sand.u32 $0x7, s13;
	s16 =	sor.u32 s17, s16;
	s17 =	sadd.s32 s3, s30  }
0x11: {  	s13 =	sshll.u32 s31, $0x12;
	s16 =	sshrl.u32 s16, $0x3;
	s12 =	sadd.s32 s12, s17  }
0x12: {  	[tilespmem:s15+$0x0 ss:$0x81] =	vst.msk $0xffff, v0;
	s13 =	sor.u32 $0x400, s13;
	s12 =	sadd.s32 s16, s12  }
0x13: {  	[hbm4b:s12+s13] =	stream.strided.scatter [tilespmem:s14], [sflag:$0x2], $0x1000, s8, s13, $0x20;
	[tilespmem:$0x4040] =	vst v63  }
.LBB1_5:
0x14: {  	s14 =	sadd.s32 $0x1, s9  }
0x15: {  	s12 =	sadd.s32 $0x1000, s10;
	s16 =	smov.u32 s10;
	p2 =	sgt.s32 s14, $0xC7  }
0x16: {  	s16 =	smov.u32 @p2 s12  }
0x17: {  	s14 =	simm.s32 @p2 $0x0;
	p2 =	sgt.s32 s16, $0xFFF  }
0x18: {  	s16 =	smov.u32 @p2 s2;
	p2 =	sne.s32 s11, s7  }
.Ltmp1:
0x19: {  	p1 =	slt.u32 s11, $0x2;
	(pc) =	sbr.rel @!p2 .LBB1_6-.Ltmp1, $4  }
0x1a: {  	s15 =	simm.s32 @!p1 $0x2  }
0x1b: {  	s13 =	smov.u32 s10;
	p0 =	por !p0, !p0;
	_ =	swait.ge @!p1 [sflag:s15], $0x1000  }
0x1c: {  	s12 =	smov.u32 s9;
	[sflag:s15] =	ssyncset.done @!p1 $0x0;
	s9 =	smov.u32 s14  }
0x1d: {  	s11 =	sadd.s32 $0x1, s11;
	[sflag:s15] =	ssyncadd.s32 @!p1 $0xFFFFF000;
	s10 =	smov.u32 s16  }
.LBB1_1:
0x1e: {  	p1 =	sge.u32 s11, s5  }
0x1f: {  	s14 =	sand.u32 @!p1 $0x1FFFFFF, s9  }
0x20: {  	s15 =	smulhi.u32 @!p1 $0x147AE15, s14;
	_ =	sdelay $0x1  }
0x21: {  	s15 =	smul.u32 @!p1 $0xC8, s15  }
0x22: {  	s16 =	sxor.u32 @!p1 $0xFFFFFFFF, s11;
	s17 =	smul.u32 @!p1 $0xC80, s10  }
0x23: {  	s31 =	sadd.s32 $0xFFFFFFFF, s11;
	s16 =	sshll.u32 @!p1 s16, $0xC;
	s14 =	ssub.s32 @!p1 s14, s15  }
0x24: {  	s15 =	sand.u32 @!p1 $0x1000, s16;
	s16 =	sadd.s32 @!p1 s6, s17;
	s14 =	sshll.u32 @!p1 s14, $0x4  }
0x25: {  	s17 =	simm.s32 @!p1 $0x6400;
	s14 =	sadd.s32 @!p1 s14, s16;
	s16 =	simm.s32 @!p1 $0x20  }
0x26: {  	[tilespmem:s15], [sflag:$0x1] =	stream.strided.gather @!p1 [hbm4b:s14+s16], $0x1000, s17, s16, $0x38;
	[tilespmem:$0x4040] =	vst v63  }
0x27: {  	p1 =	sge.u32 s31, s5  }
.Ltmp2:
0x28: {  	_ = 	snop;
	(pc) =	sbr.rel @p1 .LBB1_5-.Ltmp2, $1  }
0x29: {  	_ =	sdelay $0x3  }
0x2a: {  	s14 =	simm.s32 $0x1  }
0x2b: {  	_ =	swait.ge [sflag:s4], $0x1000;
	s14 =	simm.s32 @!p0 $0x0  }
0x2c: {  	[sflag:s4] =	ssyncset.done $0x0;
	s15 =	sshll.u32 s14, $0xC  }
0x2d: {  	[sflag:s4] =	ssyncadd.s32 $0xFFFFF000;
	s18 =	sor.u32 $0x10, s15  }
0x2e: {  	s14 =	smul.u32 $0x4080, s14;
	v1 =	vld [tilespmem:s18+$0x0]  }
0x2f: {  	s30 =	sand.u32 $0x1, s11;
	v0 =	vld [tilespmem:s18+$0xFFFFFFF0]  }
0x30: {  	s15 =	smul.u32 $0x4080, s30;
	s14 =	sshrl.u32 s14, $0x2  }
0x31: {  	s16 =	sor.u32 $0x2000, s14  }
0x32: {  	s31 =	sshrl.u32 s15, $0x2;
	s15 =	sadd.s32 $0x0, s16  }
0x33: {  	s17 =	simm.s32 $0x4;
	s18 =	sadd.s32 $0x20, s18;
	s14 =	sor.u32 $0x2000, s31;
	[tilespmem:s15+$0x810 ss:$0x81] =	vst.msk $0xffff, v1  }
.LBB1_3:
0x34: {  	v1 =	vld [tilespmem:s18+$0x0];
	p1 =	sne.s32 s17, $0x1FC;
	[tilespmem:s15+$0x0 ss:$0x81] =	vst.msk $0xffff, v0;
	s15 =	smov.u32 s17;
	s17 =	sadd.s32 $0x4, s17  }
.Ltmp3:
0x35: {  	v0 =	vld [tilespmem:s18+$0xFFFFFFF0];
	(pc) =	sbr.rel @p1 .LBB1_3-.Ltmp3, $4  }
0x36: {  	_ = 	snop  }
0x37: {  	s15 =	sshra.s32 s15, $0x2  }
0x38: {  	s15 =	sadd.s32 s15, s16  }
0x39: {  	s18 =	sadd.s32 $0x20, s18;
	[tilespmem:s15+$0x810 ss:$0x81] =	vst.msk $0xffff, v1  }
.Ltmp4:
0x3a: {  	_ = 	snop;
	(pc) =	sbr.rel .LBB1_4-.Ltmp4, $1  }
0x3b: {  	_ =	sdelay $0x3  }
.LBB1_6:
0x3c: {  	_ =	sfence.sel $0x180000  }
0x3d: {  	s2 =	simm.s32 $0x1;
	[bflag:$0x0] =	sbarrier.arrive $0xFFFF  }
0x3e: {  	s31 =	simm.s32 $0x2;
	[sflag:s2] =	ssyncpa.u1 $0x1  }
0x3f: {  	[sflag:s31] =	ssyncpa.u1 $0x1  }
0x40: {  	p0 =	sne.s32 s0, $0x0;
	_ =	strace $0x9000004A  }
0x41: {  	s0 =	sadd.s32 @!p0 $0x100000, s1;
	[bflag:$0x2] =	sbarrier.arrive $0xFFFF  }
0x42: {  	[sflag:s0] =	ssyncadd.tile.s32 @!p0 $0x1;
	_ =	shalt  }
.Lfunc_end1:
_tile_overlayer_lowered:
.L_overlay_start_2:
0x43: {  	(tag) =	ssettag $0x2  }
0x44: {  	s0 =	rddreg [dreg:$0x0];
	s2 =	stileid.u32  }
0x45: {  	s1 =	rddreg [dreg:$0x1];
	p0 =	sne.s32 s2, $0x0  }
0x46: {  	s3 =	rddreg [dreg:$0x2];
	[bflag:$0x3] =	sbarrier.arrive $0xFFFF;
	s2 =	simm.s32 @!p0 $0x1C01  }
0x47: {  	[timem:s3], [sflag:s2] =	dma.local @!p0 [hbm:s0], s1  }
0x48: {  	s0 =	simm.s32 @!p0 $0x1  }
0x49: {  	_ =	swait.ge @!p0 [sflag:s0], s1  }
0x4a: {  	s1 =	ssub.s32 @!p0 $0x0, s1;
	[sflag:s0] =	ssyncset.done @!p0 $0x0  }
0x4b: {  	[sflag:s0] =	ssyncadd.s32 @!p0 s1  }
0x4c: {  	[bflag:$0x3] =	sbarrier.arrive $0xFFFF  }
0x4d: {  	_ =	shalt  }

</sc_bundles>
